<compile_context>
chip_gen: v7x
topology: tpu7x:2x2x1
jax: 0.10.2.dev20260603
libtpu: 0.0.44.dev20260713+nightly
codegen_flags: <defaults>
</compile_context>

<pallas_src>
import functools

import jax
import jax.numpy as jnp
from jax import lax
from jax.experimental import pallas as pl
from jax.experimental.pallas import tpu as pltpu
from jax.experimental.pallas import tpu_sc as plsc

B = 256
SNP = 50000
GENES = 10000
NNZ = 200000
HID = 256

NC = 2
NS = 16
NW = NC * NS
EPW = 6272
NNZ_PAD = NW * EPW
SNP_PAD = 53248

ROWB = 32
NROWB = B // ROWB


def _prep_body(W1_ref, W2t_ref, bg_ref, b1_ref, b2_ref, v_ref, c_ref):
    vrow = lax.dot_general(W2t_ref[...], W1_ref[...],
                           (((1,), (1,)), ((), ())),
                           preferred_element_type=jnp.float32)
    v_ref[...] = vrow[0]
    c = jnp.sum(vrow * bg_ref[...])
    c = c + jnp.sum(W2t_ref[...] * b1_ref[...])
    c_ref[...] = c + b2_ref[...]


_prep = pl.pallas_call(
    _prep_body,
    out_shape=[
        jax.ShapeDtypeStruct((GENES,), jnp.float32),
        jax.ShapeDtypeStruct((1, 1), jnp.float32),
    ],
)


EPW_TRUE = NNZ // NW


def _edge_scatter_body(snp_hbm, gene_hbm, w_hbm, v_hbm, zeros_hbm, s_out,
                       sidx_v, gidx_v, w_v, gath_v, vals_v, v_sp, s_sh, sem):
    c = lax.axis_index("c")
    s = lax.axis_index("s")
    wid = c * NS + s

    lo = wid * EPW_TRUE
    hi = lo + EPW_TRUE
    start = jnp.minimum((lo // 8) * 8, NNZ - EPW)

    c1 = pltpu.async_copy(snp_hbm.at[pl.ds(start, EPW)], sidx_v, sem)
    c2 = pltpu.async_copy(gene_hbm.at[pl.ds(start, EPW)], gidx_v, sem)
    c3 = pltpu.async_copy(w_hbm.at[pl.ds(start, EPW)], w_v, sem)

    @pl.when(s == 0)
    def _():
        pltpu.sync_copy(zeros_hbm, s_sh)
        pltpu.sync_copy(v_hbm, v_sp)

    c1.wait()
    c2.wait()
    c3.wait()
    plsc.subcore_barrier()

    pltpu.sync_copy(v_sp.at[gidx_v], gath_v)

    lane = lax.iota(jnp.int32, 16)

    def mul_body(j, carry):
        for k in range(8):
            off = j * 128 + k * 16
            sl = pl.ds(off, 16)
            e = start + off + lane
            valid = (e >= lo) & (e < hi)
            vals_v[sl] = jnp.where(valid, w_v[sl] * gath_v[sl], 0.0)
        return carry

    lax.fori_loop(0, EPW // 128, mul_body, 0)

    pltpu.sync_copy(vals_v, s_sh.at[sidx_v], add=True)

    plsc.subcore_barrier()

    @pl.when(s == 0)
    def _():
        pltpu.sync_copy(s_sh, s_out.at[c])


@functools.lru_cache(maxsize=1)
def _edge_scatter_kernel():
    mesh = plsc.VectorSubcoreMesh(core_axis_name="c", subcore_axis_name="s")
    return pl.kernel(
        _edge_scatter_body,
        mesh=mesh,
        out_type=jax.ShapeDtypeStruct((NC, SNP_PAD), jnp.float32),
        scratch_types=[
            pltpu.VMEM((EPW,), jnp.int32),
            pltpu.VMEM((EPW,), jnp.int32),
            pltpu.VMEM((EPW,), jnp.float32),
            pltpu.VMEM((EPW,), jnp.float32),
            pltpu.VMEM((EPW,), jnp.float32),
            pltpu.VMEM_SHARED((GENES,), jnp.float32),
            pltpu.VMEM_SHARED((SNP_PAD,), jnp.float32),
            pltpu.SemaphoreType.DMA,
        ],
        compiler_params=pltpu.CompilerParams(needs_layout_passes=False),
    )


JB = 5000
NJB = SNP // JB


def _matvec_t_body(s_ref, xt_ref, c_ref, o_ref):
    i = pl.program_id(0)
    part = jnp.dot(s_ref[0], xt_ref[0],
                   preferred_element_type=jnp.float32)

    @pl.when(i == 0)
    def _():
        o_ref[...] = jnp.broadcast_to(c_ref[...], (1, B))

    o_ref[...] += part


_matvec_t = pl.pallas_call(
    _matvec_t_body,
    grid=(NJB,),
    in_specs=[
        pl.BlockSpec((1, 1, JB), lambda i: (i, 0, 0)),
        pl.BlockSpec((1, JB, B), lambda i: (i, 0, 0)),
        pl.BlockSpec((1, 1), lambda i: (0, 0)),
    ],
    out_specs=pl.BlockSpec((1, B), lambda i: (0, 0)),
    out_shape=jax.ShapeDtypeStruct((1, B), jnp.float32),
)


def kernel(x, snp_idx, gene_idx, w_sparse, b_gene, W1, b1, W2, b2):
    v, cc = _prep(W1, W2.reshape(1, HID),
                  b_gene.reshape(1, GENES), b1.reshape(1, HID),
                  b2.reshape(1, 1))

    partials = _edge_scatter_kernel()(
        snp_idx, gene_idx, w_sparse, v,
        jnp.zeros((SNP_PAD,), jnp.float32),
    )

    s3 = (partials[0, :SNP] + partials[1, :SNP]).reshape(NJB, 1, JB)
    xt3 = x.T.reshape(NJB, JB, B)
    out = _matvec_t(s3, xt3, cc)
    return out.reshape(-1)

# --- scband reference (transcript-rebuilt; emitter-appended) ---
"""Pipeline reference for scband-sparse-net-79053168050211 (READ-ONLY COPY).

The authoritative reference and input builder live on the scoring server;
editing this copy changes nothing except your own understanding.
"""

import jax, jax.numpy as jnp
import numpy as np

B = 256
SNP = 50000
GENES = 10000
NNZ = 200000
HID = 256

def setup_inputs(seed: int = 0) -> dict:
    key = jax.random.key(seed)
    ks = jax.random.split(key, 9)
    x = jax.random.normal(ks[0], (B, SNP), dtype=jnp.float32)
    snp_idx = jax.random.randint(ks[1], (NNZ,), 0, SNP, dtype=jnp.int32)
    gene_idx = jax.random.randint(ks[2], (NNZ,), 0, GENES, dtype=jnp.int32)
    w_sparse = jax.random.normal(ks[3], (NNZ,), dtype=jnp.float32) * 0.01
    b_gene = jax.random.normal(ks[4], (GENES,), dtype=jnp.float32) * 0.01
    W1 = jax.random.normal(ks[5], (GENES, HID), dtype=jnp.float32) * 0.01
    b1 = jnp.zeros((HID,), dtype=jnp.float32)
    W2 = jax.random.normal(ks[6], (HID, 1), dtype=jnp.float32) * 0.1
    b2 = jnp.zeros((1,), dtype=jnp.float32)
    return {"x": x, "snp_idx": snp_idx, "gene_idx": gene_idx,
            "w_sparse": w_sparse, "b_gene": b_gene,
            "W1": W1, "b1": b1, "W2": W2, "b2": b2}

def reference(x, snp_idx, gene_idx, w_sparse, b_gene, W1, b1, W2, b2):
    # SparseLinear: out[b, g] = sum_{e: gene_idx[e]==g} w_sparse[e] * x[b, snp_idx[e]] + b_gene[g]
    gathered = jnp.take(x, snp_idx, axis=1) * w_sparse[None, :]  # [B, NNZ]
    genes = jax.ops.segment_sum(gathered.T, gene_idx, num_segments=GENES).T  # [B, GENES]
    genes = genes + b_gene[None, :]
    # interaction_layer (dense)
    h = genes @ W1 + b1[None, :]
    # phenotype_layer (dense)
    out = h @ W2 + b2[None, :]
    return out.reshape(-1)

if __name__ == "__main__":
    import jax
    _d = setup_inputs()
    print(jax.jit(kernel)(*tuple(_d.values())))

</pallas_src>

<mosaic_0001>
#map = affine_map<(d0, d1) -> (0)>
#map1 = affine_map<(d0, d1) -> (0, 0)>
module attributes {stable_mosaic.version = 14 : i64} {
  func.func @_edge_scatter_body(%arg0: i32, %arg1: i32, %arg2: memref<200000xi32, #tpu.memory_space<hbm>>, %arg3: memref<200000xi32, #tpu.memory_space<hbm>>, %arg4: memref<200000xf32, #tpu.memory_space<hbm>>, %arg5: memref<10000xf32, #tpu.memory_space<hbm>>, %arg6: memref<53248xf32, #tpu.memory_space<hbm>>, %arg7: memref<2x53248xf32, #tpu.memory_space<hbm>>, %arg8: memref<6272xi32, #tpu.memory_space<vmem>>, %arg9: memref<6272xi32, #tpu.memory_space<vmem>>, %arg10: memref<6272xf32, #tpu.memory_space<vmem>>, %arg11: memref<6272xf32, #tpu.memory_space<vmem>>, %arg12: memref<6272xf32, #tpu.memory_space<vmem>>, %arg13: memref<10000xf32, #tpu.memory_space<vmem_shared>>, %arg14: memref<53248xf32, #tpu.memory_space<vmem_shared>>, %arg15: memref<!tpu.dma_semaphore, #tpu.memory_space<semaphore_mem>>) attributes {dimension_semantics = [#tpu.dimension_semantics<core_parallel>, #tpu.dimension_semantics<subcore_parallel>], iteration_bounds = array<i64: 2, 16>, scalar_prefetch = 0 : i64, scratch_operands = 8 : i64, tpu.core_type = #tpu.core_type<sc_vector_subcore>, window_params = [{transform_indices = #map}, {transform_indices = #map}, {transform_indices = #map}, {transform_indices = #map}, {transform_indices = #map}, {transform_indices = #map1}]} {
    %mul3A = arith.constant 16 : i32
    %mul3A_0 = arith.muli %arg0, %mul3A : i32
    %add3A = arith.addi %mul3A_0, %arg1 : i32
    %mul3A_1 = arith.constant 6250 : i32
    %mul3A_2 = arith.muli %add3A, %mul3A_1 : i32
    %add3A_3 = arith.constant 6250 : i32
    %add3A_4 = arith.addi %mul3A_2, %add3A_3 : i32
    %jit3A = arith.constant 8 : i32
    %div3A = arith.divsi %mul3A_2, %jit3A : i32
    %sign3A = arith.constant 0 : i32
    %sign3A_5 = arith.cmpi sgt, %mul3A_2, %sign3A : i32
    %sign3A_6 = arith.extui %sign3A_5 : i1 to i32
    %sign3A_7 = arith.constant 0 : i32
    %sign3A_8 = arith.cmpi slt, %mul3A_2, %sign3A_7 : i32
    %sign3A_9 = arith.extui %sign3A_8 : i1 to i32
    %sign3A_10 = arith.subi %sign3A_6, %sign3A_9 : i32
    %sign3A_11 = arith.constant 0 : i32
    %sign3A_12 = arith.cmpi sgt, %jit3A, %sign3A_11 : i32
    %sign3A_13 = arith.extui %sign3A_12 : i1 to i32
    %sign3A_14 = arith.constant 0 : i32
    %sign3A_15 = arith.cmpi slt, %jit3A, %sign3A_14 : i32
    %sign3A_16 = arith.extui %sign3A_15 : i1 to i32
    %sign3A_17 = arith.subi %sign3A_13, %sign3A_16 : i32
    %ne3A = arith.cmpi ne, %sign3A_10, %sign3A_17 : i32
    %rem3A = arith.remsi %mul3A_2, %jit3A : i32
    %ne3A_18 = arith.constant 0 : i32
    %ne3A_19 = arith.cmpi ne, %rem3A, %ne3A_18 : i32
    %and3A = arith.andi %ne3A, %ne3A_19 : i1
    %sub3A = arith.constant 1 : i32
    %sub3A_20 = arith.subi %div3A, %sub3A : i32
    %select_n3A = arith.select %and3A, %sub3A_20, %div3A : i32
    %mul3A_21 = arith.constant 8 : i32
    %mul3A_22 = arith.muli %select_n3A, %mul3A_21 : i32
    %min3A = arith.constant 193728 : i32
    %min3A_23 = arith.minsi %mul3A_22, %min3A : i32
    %dma_start3A = tpu.memref_slice %arg2[%min3A_23] : memref<200000xi32, #tpu.memory_space<hbm>> -> memref<6272xi32, #tpu.memory_space<hbm>>
    %dma_start3A_24 = tpu.memref_slice %arg2[%min3A_23] : memref<200000xi32, #tpu.memory_space<hbm>> -> memref<6272xi32, #tpu.memory_space<hbm>>
    tpu.enqueue_dma source(%dma_start3A_24 : memref<6272xi32, #tpu.memory_space<hbm>>) target(%arg8 : memref<6272xi32, #tpu.memory_space<vmem>>) target_semaphore(%arg15 : memref<!tpu.dma_semaphore, #tpu.memory_space<semaphore_mem>>)
    %dma_start3A_25 = tpu.memref_slice %arg3[%min3A_23] : memref<200000xi32, #tpu.memory_space<hbm>> -> memref<6272xi32, #tpu.memory_space<hbm>>
    %dma_start3A_26 = tpu.memref_slice %arg3[%min3A_23] : memref<200000xi32, #tpu.memory_space<hbm>> -> memref<6272xi32, #tpu.memory_space<hbm>>
    tpu.enqueue_dma source(%dma_start3A_26 : memref<6272xi32, #tpu.memory_space<hbm>>) target(%arg9 : memref<6272xi32, #tpu.memory_space<vmem>>) target_semaphore(%arg15 : memref<!tpu.dma_semaphore, #tpu.memory_space<semaphore_mem>>)
    %dma_start3A_27 = tpu.memref_slice %arg4[%min3A_23] : memref<200000xf32, #tpu.memory_space<hbm>> -> memref<6272xf32, #tpu.memory_space<hbm>>
    %dma_start3A_28 = tpu.memref_slice %arg4[%min3A_23] : memref<200000xf32, #tpu.memory_space<hbm>> -> memref<6272xf32, #tpu.memory_space<hbm>>
    tpu.enqueue_dma source(%dma_start3A_28 : memref<6272xf32, #tpu.memory_space<hbm>>) target(%arg10 : memref<6272xf32, #tpu.memory_space<vmem>>) target_semaphore(%arg15 : memref<!tpu.dma_semaphore, #tpu.memory_space<semaphore_mem>>)
    %eq3A = arith.constant 0 : i32
    %eq3A_29 = arith.cmpi eq, %arg1, %eq3A : i32
    %convert_element_type3A = arith.extui %eq3A_29 : i1 to i32
    %cond3A = arith.constant 0 : i32
    %cond3A_30 = arith.cmpi ne, %convert_element_type3A, %cond3A : i32
    scf.if %cond3A_30 {
      "tpu.region"() ({
        %run_scoped3A = tpu.sem_alloc : memref<!tpu.dma_semaphore, #tpu.memory_space<semaphore_mem>>
        tpu.enqueue_dma source(%arg6 : memref<53248xf32, #tpu.memory_space<hbm>>) target(%arg14 : memref<53248xf32, #tpu.memory_space<vmem_shared>>) target_semaphore(%run_scoped3A : memref<!tpu.dma_semaphore, #tpu.memory_space<semaphore_mem>>)
        tpu.wait_dma2 semaphore(%run_scoped3A : memref<!tpu.dma_semaphore, #tpu.memory_space<semaphore_mem>>) src(%arg6 : memref<53248xf32, #tpu.memory_space<hbm>>) dst(%arg14 : memref<53248xf32, #tpu.memory_space<vmem_shared>>)
        tpu.yield
      }) : () -> ()
      "tpu.region"() ({
        %run_scoped3A = tpu.sem_alloc : memref<!tpu.dma_semaphore, #tpu.memory_space<semaphore_mem>>
        tpu.enqueue_dma source(%arg5 : memref<10000xf32, #tpu.memory_space<hbm>>) target(%arg13 : memref<10000xf32, #tpu.memory_space<vmem_shared>>) target_semaphore(%run_scoped3A : memref<!tpu.dma_semaphore, #tpu.memory_space<semaphore_mem>>)
        tpu.wait_dma2 semaphore(%run_scoped3A : memref<!tpu.dma_semaphore, #tpu.memory_space<semaphore_mem>>) src(%arg5 : memref<10000xf32, #tpu.memory_space<hbm>>) dst(%arg13 : memref<10000xf32, #tpu.memory_space<vmem_shared>>)
        tpu.yield
      }) : () -> ()
    } else {
    }
    %dma_wait3A = tpu.memref_slice %arg2[%min3A_23] : memref<200000xi32, #tpu.memory_space<hbm>> -> memref<6272xi32, #tpu.memory_space<hbm>>
    %dma_wait3A_31 = tpu.memref_slice %arg2[%min3A_23] : memref<200000xi32, #tpu.memory_space<hbm>> -> memref<6272xi32, #tpu.memory_space<hbm>>
    tpu.wait_dma2 semaphore(%arg15 : memref<!tpu.dma_semaphore, #tpu.memory_space<semaphore_mem>>) src(%dma_wait3A_31 : memref<6272xi32, #tpu.memory_space<hbm>>) dst(%arg8 : memref<6272xi32, #tpu.memory_space<vmem>>)
    %dma_wait3A_32 = tpu.memref_slice %arg3[%min3A_23] : memref<200000xi32, #tpu.memory_space<hbm>> -> memref<6272xi32, #tpu.memory_space<hbm>>
    %dma_wait3A_33 = tpu.memref_slice %arg3[%min3A_23] : memref<200000xi32, #tpu.memory_space<hbm>> -> memref<6272xi32, #tpu.memory_space<hbm>>
    tpu.wait_dma2 semaphore(%arg15 : memref<!tpu.dma_semaphore, #tpu.memory_space<semaphore_mem>>) src(%dma_wait3A_33 : memref<6272xi32, #tpu.memory_space<hbm>>) dst(%arg9 : memref<6272xi32, #tpu.memory_space<vmem>>)
    %dma_wait3A_34 = tpu.memref_slice %arg4[%min3A_23] : memref<200000xf32, #tpu.memory_space<hbm>> -> memref<6272xf32, #tpu.memory_space<hbm>>
    %dma_wait3A_35 = tpu.memref_slice %arg4[%min3A_23] : memref<200000xf32, #tpu.memory_space<hbm>> -> memref<6272xf32, #tpu.memory_space<hbm>>
    tpu.wait_dma2 semaphore(%arg15 : memref<!tpu.dma_semaphore, #tpu.memory_space<semaphore_mem>>) src(%dma_wait3A_35 : memref<6272xf32, #tpu.memory_space<hbm>>) dst(%arg10 : memref<6272xf32, #tpu.memory_space<vmem>>)
    %barrier3A = arith.constant 0 : index
    tpu.barrier barrier_id(%barrier3A)
    "tpu.region"() ({
      %run_scoped3A = tpu.sem_alloc : memref<!tpu.dma_semaphore, #tpu.memory_space<semaphore_mem>>
      %dma_start3A_47 = arith.constant 0 : i32
      %dma_start3A_48 = tpu.memref_slice %arg13[%dma_start3A_47] : memref<10000xf32, #tpu.memory_space<vmem_shared>> -> memref<10000xf32, #tpu.memory_space<vmem_shared>>
      tpu.enqueue_indirect_dma source(%dma_start3A_48 : memref<10000xf32, #tpu.memory_space<vmem_shared>>) target(%arg11 : memref<6272xf32, #tpu.memory_space<vmem>>) offsets(%arg9 : memref<6272xi32, #tpu.memory_space<vmem>>) semaphore(%run_scoped3A : memref<!tpu.dma_semaphore, #tpu.memory_space<semaphore_mem>>)
      %dma_wait3A_49 = arith.constant 0 : i32
      %dma_wait3A_50 = tpu.memref_slice %arg13[%dma_wait3A_49] : memref<10000xf32, #tpu.memory_space<vmem_shared>> -> memref<10000xf32, #tpu.memory_space<vmem_shared>>
      tpu.wait_indirect_dma semaphore(%run_scoped3A : memref<!tpu.dma_semaphore, #tpu.memory_space<semaphore_mem>>) src(%dma_wait3A_50 : memref<10000xf32, #tpu.memory_space<vmem_shared>>) dst(%arg11 : memref<6272xf32, #tpu.memory_space<vmem>>)
      tpu.yield
    }) : () -> ()
    %iota3A = tpu.iota {dimensions = array<i32: 0>} : vector<16xi32>
    %scan3A = arith.constant 0 : i32
    %scan3A_36 = arith.constant 0 : i32
    %scan3A_37 = arith.constant 49 : i32
    %scan3A_38 = arith.addi %scan3A_36, %scan3A_37 : i32
    %scan3A_39 = arith.constant 1 : i32
    scf.for %scan3A_47 = %scan3A_36 to %scan3A_38 step %scan3A_39  : i32 {
      %mul3A_48 = arith.constant 128 : i32
      %mul3A_49 = arith.muli %scan3A_47, %mul3A_48 : i32
      %add3A_50 = arith.constant 0 : i32
      %add3A_51 = arith.addi %mul3A_49, %add3A_50 : i32
      %add3A_52 = arith.addi %min3A_23, %add3A_51 : i32
      %add3A_53 = vector.broadcast %add3A_52 : i32 to vector<16xi32>
      %add3A_54 = arith.addi %add3A_53, %iota3A : vector<16xi32>
      %ge3A = vector.broadcast %mul3A_2 : i32 to vector<16xi32>
      %ge3A_55 = arith.cmpi sge, %add3A_54, %ge3A : vector<16xi32>
      %lt3A = vector.broadcast %add3A_4 : i32 to vector<16xi32>
      %lt3A_56 = arith.cmpi slt, %add3A_54, %lt3A : vector<16xi32>
      %and3A_57 = arith.andi %ge3A_55, %lt3A_56 : vector<16xi1>
      %get3A = arith.index_cast %add3A_51 : i32 to index
      %get3A_58 = tpu.vector_load %arg10[%get3A] {strides = array<i32>} : memref<6272xf32, #tpu.memory_space<vmem>>, vector<16xf32>,
      %get3A_59 = arith.index_cast %add3A_51 : i32 to index
      %get3A_60 = tpu.vector_load %arg11[%get3A_59] {strides = array<i32>} : memref<6272xf32, #tpu.memory_space<vmem>>, vector<16xf32>,
      %mul3A_61 = arith.mulf %get3A_58, %get3A_60 : vector<16xf32>
      %jit3A_62 = arith.constant 0.000000e+00 : f32
      %broadcast_in_dim3A = vector.broadcast %jit3A_62 : f32 to vector<16xf32>
      %select_n3A_63 = arith.select %and3A_57, %mul3A_61, %broadcast_in_dim3A : vector<16xi1>, vector<16xf32>
      %swap3A = arith.index_cast %add3A_51 : i32 to index
      %swap3A_64 = tpu.vector_load %arg12[%swap3A] {strides = array<i32>} : memref<6272xf32, #tpu.memory_space<vmem>>, vector<16xf32>,
      tpu.vector_store %arg12[%swap3A], %select_n3A_63 {strides = array<i32>} : memref<6272xf32, #tpu.memory_space<vmem>>, vector<16xf32>,
      %mul3A_65 = arith.constant 128 : i32
      %mul3A_66 = arith.muli %scan3A_47, %mul3A_65 : i32
      %add3A_67 = arith.constant 16 : i32
      %add3A_68 = arith.addi %mul3A_66, %add3A_67 : i32
      %add3A_69 = arith.addi %min3A_23, %add3A_68 : i32
      %add3A_70 = vector.broadcast %add3A_69 : i32 to vector<16xi32>
      %add3A_71 = arith.addi %add3A_70, %iota3A : vector<16xi32>
      %ge3A_72 = vector.broadcast %mul3A_2 : i32 to vector<16xi32>
      %ge3A_73 = arith.cmpi sge, %add3A_71, %ge3A_72 : vector<16xi32>
      %lt3A_74 = vector.broadcast %add3A_4 : i32 to vector<16xi32>
      %lt3A_75 = arith.cmpi slt, %add3A_71, %lt3A_74 : vector<16xi32>
      %and3A_76 = arith.andi %ge3A_73, %lt3A_75 : vector<16xi1>
      %get3A_77 = arith.index_cast %add3A_68 : i32 to index
      %get3A_78 = tpu.vector_load %arg10[%get3A_77] {strides = array<i32>} : memref<6272xf32, #tpu.memory_space<vmem>>, vector<16xf32>,
      %get3A_79 = arith.index_cast %add3A_68 : i32 to index
      %get3A_80 = tpu.vector_load %arg11[%get3A_79] {strides = array<i32>} : memref<6272xf32, #tpu.memory_space<vmem>>, vector<16xf32>,
      %mul3A_81 = arith.mulf %get3A_78, %get3A_80 : vector<16xf32>
      %jit3A_82 = arith.constant 0.000000e+00 : f32
      %broadcast_in_dim3A_83 = vector.broadcast %jit3A_82 : f32 to vector<16xf32>
      %select_n3A_84 = arith.select %and3A_76, %mul3A_81, %broadcast_in_dim3A_83 : vector<16xi1>, vector<16xf32>
      %swap3A_85 = arith.index_cast %add3A_68 : i32 to index
      %swap3A_86 = tpu.vector_load %arg12[%swap3A_85] {strides = array<i32>} : memref<6272xf32, #tpu.memory_space<vmem>>, vector<16xf32>,
      tpu.vector_store %arg12[%swap3A_85], %select_n3A_84 {strides = array<i32>} : memref<6272xf32, #tpu.memory_space<vmem>>, vector<16xf32>,
      %mul3A_87 = arith.constant 128 : i32
      %mul3A_88 = arith.muli %scan3A_47, %mul3A_87 : i32
      %add3A_89 = arith.constant 32 : i32
      %add3A_90 = arith.addi %mul3A_88, %add3A_89 : i32
      %add3A_91 = arith.addi %min3A_23, %add3A_90 : i32
      %add3A_92 = vector.broadcast %add3A_91 : i32 to vector<16xi32>
      %add3A_93 = arith.addi %add3A_92, %iota3A : vector<16xi32>
      %ge3A_94 = vector.broadcast %mul3A_2 : i32 to vector<16xi32>
      %ge3A_95 = arith.cmpi sge, %add3A_93, %ge3A_94 : vector<16xi32>
      %lt3A_96 = vector.broadcast %add3A_4 : i32 to vector<16xi32>
      %lt3A_97 = arith.cmpi slt, %add3A_93, %lt3A_96 : vector<16xi32>
      %and3A_98 = arith.andi %ge3A_95, %lt3A_97 : vector<16xi1>
      %get3A_99 = arith.index_cast %add3A_90 : i32 to index
      %get3A_100 = tpu.vector_load %arg10[%get3A_99] {strides = array<i32>} : memref<6272xf32, #tpu.memory_space<vmem>>, vector<16xf32>,
      %get3A_101 = arith.index_cast %add3A_90 : i32 to index
      %get3A_102 = tpu.vector_load %arg11[%get3A_101] {strides = array<i32>} : memref<6272xf32, #tpu.memory_space<vmem>>, vector<16xf32>,
      %mul3A_103 = arith.mulf %get3A_100, %get3A_102 : vector<16xf32>
      %jit3A_104 = arith.constant 0.000000e+00 : f32
      %broadcast_in_dim3A_105 = vector.broadcast %jit3A_104 : f32 to vector<16xf32>
      %select_n3A_106 = arith.select %and3A_98, %mul3A_103, %broadcast_in_dim3A_105 : vector<16xi1>, vector<16xf32>
      %swap3A_107 = arith.index_cast %add3A_90 : i32 to index
      %swap3A_108 = tpu.vector_load %arg12[%swap3A_107] {strides = array<i32>} : memref<6272xf32, #tpu.memory_space<vmem>>, vector<16xf32>,
      tpu.vector_store %arg12[%swap3A_107], %select_n3A_106 {strides = array<i32>} : memref<6272xf32, #tpu.memory_space<vmem>>, vector<16xf32>,
      %mul3A_109 = arith.constant 128 : i32
      %mul3A_110 = arith.muli %scan3A_47, %mul3A_109 : i32
      %add3A_111 = arith.constant 48 : i32
      %add3A_112 = arith.addi %mul3A_110, %add3A_111 : i32
      %add3A_113 = arith.addi %min3A_23, %add3A_112 : i32
      %add3A_114 = vector.broadcast %add3A_113 : i32 to vector<16xi32>
      %add3A_115 = arith.addi %add3A_114, %iota3A : vector<16xi32>
      %ge3A_116 = vector.broadcast %mul3A_2 : i32 to vector<16xi32>
      %ge3A_117 = arith.cmpi sge, %add3A_115, %ge3A_116 : vector<16xi32>
      %lt3A_118 = vector.broadcast %add3A_4 : i32 to vector<16xi32>
      %lt3A_119 = arith.cmpi slt, %add3A_115, %lt3A_118 : vector<16xi32>
      %and3A_120 = arith.andi %ge3A_117, %lt3A_119 : vector<16xi1>
      %get3A_121 = arith.index_cast %add3A_112 : i32 to index
      %get3A_122 = tpu.vector_load %arg10[%get3A_121] {strides = array<i32>} : memref<6272xf32, #tpu.memory_space<vmem>>, vector<16xf32>,
      %get3A_123 = arith.index_cast %add3A_112 : i32 to index
      %get3A_124 = tpu.vector_load %arg11[%get3A_123] {strides = array<i32>} : memref<6272xf32, #tpu.memory_space<vmem>>, vector<16xf32>,
      %mul3A_125 = arith.mulf %get3A_122, %get3A_124 : vector<16xf32>
      %jit3A_126 = arith.constant 0.000000e+00 : f32
      %broadcast_in_dim3A_127 = vector.broadcast %jit3A_126 : f32 to vector<16xf32>
      %select_n3A_128 = arith.select %and3A_120, %mul3A_125, %broadcast_in_dim3A_127 : vector<16xi1>, vector<16xf32>
      %swap3A_129 = arith.index_cast %add3A_112 : i32 to index
      %swap3A_130 = tpu.vector_load %arg12[%swap3A_129] {strides = array<i32>} : memref<6272xf32, #tpu.memory_space<vmem>>, vector<16xf32>,
      tpu.vector_store %arg12[%swap3A_129], %select_n3A_128 {strides = array<i32>} : memref<6272xf32, #tpu.memory_space<vmem>>, vector<16xf32>,
      %mul3A_131 = arith.constant 128 : i32
      %mul3A_132 = arith.muli %scan3A_47, %mul3A_131 : i32
      %add3A_133 = arith.constant 64 : i32
      %add3A_134 = arith.addi %mul3A_132, %add3A_133 : i32
      %add3A_135 = arith.addi %min3A_23, %add3A_134 : i32
      %add3A_136 = vector.broadcast %add3A_135 : i32 to vector<16xi32>
      %add3A_137 = arith.addi %add3A_136, %iota3A : vector<16xi32>
      %ge3A_138 = vector.broadcast %mul3A_2 : i32 to vector<16xi32>
      %ge3A_139 = arith.cmpi sge, %add3A_137, %ge3A_138 : vector<16xi32>
      %lt3A_140 = vector.broadcast %add3A_4 : i32 to vector<16xi32>
      %lt3A_141 = arith.cmpi slt, %add3A_137, %lt3A_140 : vector<16xi32>
      %and3A_142 = arith.andi %ge3A_139, %lt3A_141 : vector<16xi1>
      %get3A_143 = arith.index_cast %add3A_134 : i32 to index
      %get3A_144 = tpu.vector_load %arg10[%get3A_143] {strides = array<i32>} : memref<6272xf32, #tpu.memory_space<vmem>>, vector<16xf32>,
      %get3A_145 = arith.index_cast %add3A_134 : i32 to index
      %get3A_146 = tpu.vector_load %arg11[%get3A_145] {strides = array<i32>} : memref<6272xf32, #tpu.memory_space<vmem>>, vector<16xf32>,
      %mul3A_147 = arith.mulf %get3A_144, %get3A_146 : vector<16xf32>
      %jit3A_148 = arith.constant 0.000000e+00 : f32
      %broadcast_in_dim3A_149 = vector.broadcast %jit3A_148 : f32 to vector<16xf32>
      %select_n3A_150 = arith.select %and3A_142, %mul3A_147, %broadcast_in_dim3A_149 : vector<16xi1>, vector<16xf32>
      %swap3A_151 = arith.index_cast %add3A_134 : i32 to index
      %swap3A_152 = tpu.vector_load %arg12[%swap3A_151] {strides = array<i32>} : memref<6272xf32, #tpu.memory_space<vmem>>, vector<16xf32>,
      tpu.vector_store %arg12[%swap3A_151], %select_n3A_150 {strides = array<i32>} : memref<6272xf32, #tpu.memory_space<vmem>>, vector<16xf32>,
      %mul3A_153 = arith.constant 128 : i32
      %mul3A_154 = arith.muli %scan3A_47, %mul3A_153 : i32
      %add3A_155 = arith.constant 80 : i32
      %add3A_156 = arith.addi %mul3A_154, %add3A_155 : i32
      %add3A_157 = arith.addi %min3A_23, %add3A_156 : i32
      %add3A_158 = vector.broadcast %add3A_157 : i32 to vector<16xi32>
      %add3A_159 = arith.addi %add3A_158, %iota3A : vector<16xi32>
      %ge3A_160 = vector.broadcast %mul3A_2 : i32 to vector<16xi32>
      %ge3A_161 = arith.cmpi sge, %add3A_159, %ge3A_160 : vector<16xi32>
      %lt3A_162 = vector.broadcast %add3A_4 : i32 to vector<16xi32>
      %lt3A_163 = arith.cmpi slt, %add3A_159, %lt3A_162 : vector<16xi32>
      %and3A_164 = arith.andi %ge3A_161, %lt3A_163 : vector<16xi1>
      %get3A_165 = arith.index_cast %add3A_156 : i32 to index
      %get3A_166 = tpu.vector_load %arg10[%get3A_165] {strides = array<i32>} : memref<6272xf32, #tpu.memory_space<vmem>>, vector<16xf32>,
      %get3A_167 = arith.index_cast %add3A_156 : i32 to index
      %get3A_168 = tpu.vector_load %arg11[%get3A_167] {strides = array<i32>} : memref<6272xf32, #tpu.memory_space<vmem>>, vector<16xf32>,
      %mul3A_169 = arith.mulf %get3A_166, %get3A_168 : vector<16xf32>
      %jit3A_170 = arith.constant 0.000000e+00 : f32
      %broadcast_in_dim3A_171 = vector.broadcast %jit3A_170 : f32 to vector<16xf32>
      %select_n3A_172 = arith.select %and3A_164, %mul3A_169, %broadcast_in_dim3A_171 : vector<16xi1>, vector<16xf32>
      %swap3A_173 = arith.index_cast %add3A_156 : i32 to index
      %swap3A_174 = tpu.vector_load %arg12[%swap3A_173] {strides = array<i32>} : memref<6272xf32, #tpu.memory_space<vmem>>, vector<16xf32>,
      tpu.vector_store %arg12[%swap3A_173], %select_n3A_172 {strides = array<i32>} : memref<6272xf32, #tpu.memory_space<vmem>>, vector<16xf32>,
      %mul3A_175 = arith.constant 128 : i32
      %mul3A_176 = arith.muli %scan3A_47, %mul3A_175 : i32
      %add3A_177 = arith.constant 96 : i32
      %add3A_178 = arith.addi %mul3A_176, %add3A_177 : i32
      %add3A_179 = arith.addi %min3A_23, %add3A_178 : i32
      %add3A_180 = vector.broadcast %add3A_179 : i32 to vector<16xi32>
      %add3A_181 = arith.addi %add3A_180, %iota3A : vector<16xi32>
      %ge3A_182 = vector.broadcast %mul3A_2 : i32 to vector<16xi32>
      %ge3A_183 = arith.cmpi sge, %add3A_181, %ge3A_182 : vector<16xi32>
      %lt3A_184 = vector.broadcast %add3A_4 : i32 to vector<16xi32>
      %lt3A_185 = arith.cmpi slt, %add3A_181, %lt3A_184 : vector<16xi32>
      %and3A_186 = arith.andi %ge3A_183, %lt3A_185 : vector<16xi1>
      %get3A_187 = arith.index_cast %add3A_178 : i32 to index
      %get3A_188 = tpu.vector_load %arg10[%get3A_187] {strides = array<i32>} : memref<6272xf32, #tpu.memory_space<vmem>>, vector<16xf32>,
      %get3A_189 = arith.index_cast %add3A_178 : i32 to index
      %get3A_190 = tpu.vector_load %arg11[%get3A_189] {strides = array<i32>} : memref<6272xf32, #tpu.memory_space<vmem>>, vector<16xf32>,
      %mul3A_191 = arith.mulf %get3A_188, %get3A_190 : vector<16xf32>
      %jit3A_192 = arith.constant 0.000000e+00 : f32
      %broadcast_in_dim3A_193 = vector.broadcast %jit3A_192 : f32 to vector<16xf32>
      %select_n3A_194 = arith.select %and3A_186, %mul3A_191, %broadcast_in_dim3A_193 : vector<16xi1>, vector<16xf32>
      %swap3A_195 = arith.index_cast %add3A_178 : i32 to index
      %swap3A_196 = tpu.vector_load %arg12[%swap3A_195] {strides = array<i32>} : memref<6272xf32, #tpu.memory_space<vmem>>, vector<16xf32>,
      tpu.vector_store %arg12[%swap3A_195], %select_n3A_194 {strides = array<i32>} : memref<6272xf32, #tpu.memory_space<vmem>>, vector<16xf32>,
      %mul3A_197 = arith.constant 128 : i32
      %mul3A_198 = arith.muli %scan3A_47, %mul3A_197 : i32
      %add3A_199 = arith.constant 112 : i32
      %add3A_200 = arith.addi %mul3A_198, %add3A_199 : i32
      %add3A_201 = arith.addi %min3A_23, %add3A_200 : i32
      %add3A_202 = vector.broadcast %add3A_201 : i32 to vector<16xi32>
      %add3A_203 = arith.addi %add3A_202, %iota3A : vector<16xi32>
      %ge3A_204 = vector.broadcast %mul3A_2 : i32 to vector<16xi32>
      %ge3A_205 = arith.cmpi sge, %add3A_203, %ge3A_204 : vector<16xi32>
      %lt3A_206 = vector.broadcast %add3A_4 : i32 to vector<16xi32>
      %lt3A_207 = arith.cmpi slt, %add3A_203, %lt3A_206 : vector<16xi32>
      %and3A_208 = arith.andi %ge3A_205, %lt3A_207 : vector<16xi1>
      %get3A_209 = arith.index_cast %add3A_200 : i32 to index
      %get3A_210 = tpu.vector_load %arg10[%get3A_209] {strides = array<i32>} : memref<6272xf32, #tpu.memory_space<vmem>>, vector<16xf32>,
      %get3A_211 = arith.index_cast %add3A_200 : i32 to index
      %get3A_212 = tpu.vector_load %arg11[%get3A_211] {strides = array<i32>} : memref<6272xf32, #tpu.memory_space<vmem>>, vector<16xf32>,
      %mul3A_213 = arith.mulf %get3A_210, %get3A_212 : vector<16xf32>
      %jit3A_214 = arith.constant 0.000000e+00 : f32
      %broadcast_in_dim3A_215 = vector.broadcast %jit3A_214 : f32 to vector<16xf32>
      %select_n3A_216 = arith.select %and3A_208, %mul3A_213, %broadcast_in_dim3A_215 : vector<16xi1>, vector<16xf32>
      %swap3A_217 = arith.index_cast %add3A_200 : i32 to index
      %swap3A_218 = tpu.vector_load %arg12[%swap3A_217] {strides = array<i32>} : memref<6272xf32, #tpu.memory_space<vmem>>, vector<16xf32>,
      tpu.vector_store %arg12[%swap3A_217], %select_n3A_216 {strides = array<i32>} : memref<6272xf32, #tpu.memory_space<vmem>>, vector<16xf32>,
    }
    %scan3A_40 = arith.constant 49 : i32
    "tpu.region"() ({
      %run_scoped3A = tpu.sem_alloc : memref<!tpu.dma_semaphore, #tpu.memory_space<semaphore_mem>>
      %dma_start3A_47 = arith.constant 0 : i32
      %dma_start3A_48 = tpu.memref_slice %arg14[%dma_start3A_47] : memref<53248xf32, #tpu.memory_space<vmem_shared>> -> memref<53248xf32, #tpu.memory_space<vmem_shared>>
      tpu.enqueue_indirect_dma source(%arg12 : memref<6272xf32, #tpu.memory_space<vmem>>) target(%dma_start3A_48 : memref<53248xf32, #tpu.memory_space<vmem_shared>>) offsets(%arg8 : memref<6272xi32, #tpu.memory_space<vmem>>) semaphore(%run_scoped3A : memref<!tpu.dma_semaphore, #tpu.memory_space<semaphore_mem>>) {add = true}
      %dma_wait3A_49 = arith.constant 0 : i32
      %dma_wait3A_50 = tpu.memref_slice %arg14[%dma_wait3A_49] : memref<53248xf32, #tpu.memory_space<vmem_shared>> -> memref<53248xf32, #tpu.memory_space<vmem_shared>>
      tpu.wait_indirect_dma semaphore(%run_scoped3A : memref<!tpu.dma_semaphore, #tpu.memory_space<semaphore_mem>>) src(%arg12 : memref<6272xf32, #tpu.memory_space<vmem>>) dst(%dma_wait3A_50 : memref<53248xf32, #tpu.memory_space<vmem_shared>>)
      tpu.yield
    }) : () -> ()
    %barrier3A_41 = arith.constant 0 : index
    tpu.barrier barrier_id(%barrier3A_41)
    %eq3A_42 = arith.constant 0 : i32
    %eq3A_43 = arith.cmpi eq, %arg1, %eq3A_42 : i32
    %convert_element_type3A_44 = arith.extui %eq3A_43 : i1 to i32
    %cond3A_45 = arith.constant 0 : i32
    %cond3A_46 = arith.cmpi ne, %convert_element_type3A_44, %cond3A_45 : i32
    scf.if %cond3A_46 {
      "tpu.region"() ({
        %run_scoped3A = tpu.sem_alloc : memref<!tpu.dma_semaphore, #tpu.memory_space<semaphore_mem>>
        %dma_start3A_47 = arith.constant 0 : i32
        %dma_start3A_48 = tpu.memref_slice %arg7[%arg0, %dma_start3A_47] : memref<2x53248xf32, #tpu.memory_space<hbm>> -> memref<1x53248xf32, #tpu.memory_space<hbm>>
        %dma_start3A_49 = tpu.memref_squeeze %dma_start3A_48 : memref<1x53248xf32, #tpu.memory_space<hbm>> -> memref<53248xf32, #tpu.memory_space<hbm>>
        tpu.enqueue_dma source(%arg14 : memref<53248xf32, #tpu.memory_space<vmem_shared>>) target(%dma_start3A_49 : memref<53248xf32, #tpu.memory_space<hbm>>) target_semaphore(%run_scoped3A : memref<!tpu.dma_semaphore, #tpu.memory_space<semaphore_mem>>)
        %dma_wait3A_50 = arith.constant 0 : i32
        %dma_wait3A_51 = tpu.memref_slice %arg7[%arg0, %dma_wait3A_50] : memref<2x53248xf32, #tpu.memory_space<hbm>> -> memref<1x53248xf32, #tpu.memory_space<hbm>>
        %dma_wait3A_52 = tpu.memref_squeeze %dma_wait3A_51 : memref<1x53248xf32, #tpu.memory_space<hbm>> -> memref<53248xf32, #tpu.memory_space<hbm>>
        tpu.wait_dma2 semaphore(%run_scoped3A : memref<!tpu.dma_semaphore, #tpu.memory_space<semaphore_mem>>) src(%arg14 : memref<53248xf32, #tpu.memory_space<vmem_shared>>) dst(%dma_wait3A_52 : memref<53248xf32, #tpu.memory_space<hbm>>)
        tpu.yield
      }) : () -> ()
    } else {
    }
    return
  }
}

module attributes {stable_mosaic.version = 14 : i64} {
  func.func @_prep_body(%arg0: memref<10000x256xf32, #tpu.memory_space<vmem>>, %arg1: memref<1x256xf32, #tpu.memory_space<vmem>>, %arg2: memref<1x10000xf32, #tpu.memory_space<vmem>>, %arg3: memref<1x256xf32, #tpu.memory_space<vmem>>, %arg4: memref<1x1xf32, #tpu.memory_space<vmem>>, %arg5: memref<10000xf32, #tpu.memory_space<vmem>>, %arg6: memref<1x1xf32, #tpu.memory_space<vmem>>) attributes {dimension_semantics = [], scalar_prefetch = 0 : i64, scratch_operands = 0 : i64, tpu.core_type = #tpu.core_type<tc>} {
    %get3A = arith.constant 0 : index
    %get3A_0 = arith.constant 0 : index
    %get3A_1 = vector.load %arg1[%get3A, %get3A_0] : memref<1x256xf32, #tpu.memory_space<vmem>>, vector<1x256xf32>
    %get3A_2 = arith.constant 0 : index
    %get3A_3 = arith.constant 0 : index
    %get3A_4 = vector.load %arg0[%get3A_2, %get3A_3] : memref<10000x256xf32, #tpu.memory_space<vmem>>, vector<10000x256xf32>
    %dot_general3A = arith.constant dense<0.000000e+00> : vector<1x10000xf32>
    %dot_general3A_5 = tpu.matmul %get3A_1, %get3A_4, %dot_general3A {dimension_numbers = #tpu.dot_dimension_numbers<[1], [1], [0], [0], [0, 0, 1, 0], [], []>, transpose_lhs_hint = false} : vector<1x256xf32>, vector<10000x256xf32>, vector<1x10000xf32> -> vector<1x10000xf32>
    %squeeze3A = vector.shape_cast %dot_general3A_5 : vector<1x10000xf32> to vector<10000xf32>
    %swap3A = arith.constant 0 : index
    %swap3A_6 = vector.load %arg5[%swap3A] : memref<10000xf32, #tpu.memory_space<vmem>>, vector<10000xf32>
    tpu.vector_store %arg5[%swap3A], %squeeze3A {strides = array<i32>} : memref<10000xf32, #tpu.memory_space<vmem>>, vector<10000xf32>,
    %get3A_7 = arith.constant 0 : index
    %get3A_8 = arith.constant 0 : index
    %get3A_9 = vector.load %arg2[%get3A_7, %get3A_8] : memref<1x10000xf32, #tpu.memory_space<vmem>>, vector<1x10000xf32>
    %mul3A = arith.mulf %dot_general3A_5, %get3A_9 : vector<1x10000xf32>
    %reduce_sum3A = vector.shape_cast %mul3A : vector<1x10000xf32> to vector<1x1x10000xf32>
    %reduce_sum3A_10 = arith.constant dense<0.000000e+00> : vector<1xf32>
    %reduce_sum3A_11 = vector.multi_reduction <add>, %reduce_sum3A, %reduce_sum3A_10 [1, 2] : vector<1x1x10000xf32> to vector<1xf32>
    %reduce_sum3A_12 = vector.shape_cast %reduce_sum3A_11 : vector<1xf32> to vector<1x1x1xf32>
    %reduce_sum3A_13 = vector.extract %reduce_sum3A_12[0, 0, 0] : f32 from vector<1x1x1xf32>
    %get3A_14 = arith.constant 0 : index
    %get3A_15 = arith.constant 0 : index
    %get3A_16 = vector.load %arg1[%get3A_14, %get3A_15] : memref<1x256xf32, #tpu.memory_space<vmem>>, vector<1x256xf32>
    %get3A_17 = arith.constant 0 : index
    %get3A_18 = arith.constant 0 : index
    %get3A_19 = vector.load %arg3[%get3A_17, %get3A_18] : memref<1x256xf32, #tpu.memory_space<vmem>>, vector<1x256xf32>
    %mul3A_20 = arith.mulf %get3A_16, %get3A_19 : vector<1x256xf32>
    %reduce_sum3A_21 = vector.shape_cast %mul3A_20 : vector<1x256xf32> to vector<1x1x256xf32>
    %reduce_sum3A_22 = arith.constant dense<0.000000e+00> : vector<1xf32>
    %reduce_sum3A_23 = vector.multi_reduction <add>, %reduce_sum3A_21, %reduce_sum3A_22 [1, 2] : vector<1x1x256xf32> to vector<1xf32>
    %reduce_sum3A_24 = vector.shape_cast %reduce_sum3A_23 : vector<1xf32> to vector<1x1x1xf32>
    %reduce_sum3A_25 = vector.extract %reduce_sum3A_24[0, 0, 0] : f32 from vector<1x1x1xf32>
    %add3A = arith.addf %reduce_sum3A_13, %reduce_sum3A_25 : f32
    %get3A_26 = arith.constant 0 : index
    %get3A_27 = arith.constant 0 : index
    %get3A_28 = vector.load %arg4[%get3A_26, %get3A_27] : memref<1x1xf32, #tpu.memory_space<vmem>>, vector<1x1xf32>
    %add3A_29 = vector.broadcast %add3A : f32 to vector<1x1xf32>
    %add3A_30 = arith.addf %add3A_29, %get3A_28 : vector<1x1xf32>
    %swap3A_31 = arith.constant 0 : index
    %swap3A_32 = arith.constant 0 : index
    %swap3A_33 = vector.load %arg6[%swap3A_31, %swap3A_32] : memref<1x1xf32, #tpu.memory_space<vmem>>, vector<1x1xf32>
    tpu.vector_store %arg6[%swap3A_31, %swap3A_32], %add3A_30 {strides = array<i32>} : memref<1x1xf32, #tpu.memory_space<vmem>>, vector<1x1xf32>,
    return
  }
}

module attributes {stable_mosaic.version = 14 : i64} {
  func.func @_matvec_t_body(%arg0: i32, %arg1: memref<1x1x5000xf32, #tpu.memory_space<vmem>>, %arg2: memref<1x5000x256xf32, #tpu.memory_space<vmem>>, %arg3: memref<1x1xf32, #tpu.memory_space<vmem>>, %arg4: memref<1x256xf32, #tpu.memory_space<vmem>>) attributes {dimension_semantics = [#tpu.dimension_semantics<arbitrary>], iteration_bounds = array<i64: 10>, scalar_prefetch = 0 : i64, scratch_operands = 0 : i64, tpu.core_type = #tpu.core_type<tc>, window_params = [{transform_indices = @transform_0, window_bounds = array<i64: 1, 1, 5000>}, {transform_indices = @transform_1, window_bounds = array<i64: 1, 5000, 256>}, {pipeline_mode = #tpu.pipeline_mode<synchronous>, transform_indices = @transform_2, window_bounds = array<i64: 1, 1>}, {pipeline_mode = #tpu.pipeline_mode<synchronous>, transform_indices = @transform_3, window_bounds = array<i64: 1, 256>}]} {
    %get3A = arith.constant 0 : index
    %get3A_0 = arith.constant 0 : index
    %get3A_1 = arith.constant 0 : index
    %get3A_2 = vector.load %arg1[%get3A, %get3A_0, %get3A_1] : memref<1x1x5000xf32, #tpu.memory_space<vmem>>, vector<1x1x5000xf32>
    %get3A_3 = vector.shape_cast %get3A_2 : vector<1x1x5000xf32> to vector<1x5000xf32>
    %get3A_4 = arith.constant 0 : index
    %get3A_5 = arith.constant 0 : index
    %get3A_6 = arith.constant 0 : index
    %get3A_7 = vector.load %arg2[%get3A_4, %get3A_5, %get3A_6] : memref<1x5000x256xf32, #tpu.memory_space<vmem>>, vector<1x5000x256xf32>
    %get3A_8 = vector.shape_cast %get3A_7 : vector<1x5000x256xf32> to vector<5000x256xf32>
    %dot_general3A = arith.constant dense<0.000000e+00> : vector<1x256xf32>
    %dot_general3A_9 = tpu.matmul %get3A_3, %get3A_8, %dot_general3A {dimension_numbers = #tpu.dot_dimension_numbers<[1], [0], [0], [1], [0, 0, 1, 1], [], []>, transpose_lhs_hint = false} : vector<1x5000xf32>, vector<5000x256xf32>, vector<1x256xf32> -> vector<1x256xf32>
    %eq3A = arith.constant 0 : i32
    %eq3A_10 = arith.cmpi eq, %arg0, %eq3A : i32
    %convert_element_type3A = arith.extui %eq3A_10 : i1 to i32
    %cond3A = arith.constant 0 : i32
    %cond3A_11 = arith.cmpi ne, %convert_element_type3A, %cond3A : i32
    scf.if %cond3A_11 {
      %get3A_17 = arith.constant 0 : index
      %get3A_18 = arith.constant 0 : index
      %get3A_19 = vector.load %arg3[%get3A_17, %get3A_18] : memref<1x1xf32, #tpu.memory_space<vmem>>, vector<1x1xf32>
      %broadcast_in_dim3A = vector.shape_cast %get3A_19 : vector<1x1xf32> to vector<1x1xf32>
      %broadcast_in_dim3A_20 = vector.broadcast %broadcast_in_dim3A : vector<1x1xf32> to vector<1x256xf32>
      %swap3A_21 = arith.constant 0 : index
      %swap3A_22 = arith.constant 0 : index
      %swap3A_23 = vector.load %arg4[%swap3A_21, %swap3A_22] : memref<1x256xf32, #tpu.memory_space<vmem>>, vector<1x256xf32>
      tpu.vector_store %arg4[%swap3A_21, %swap3A_22], %broadcast_in_dim3A_20 {strides = array<i32>} : memref<1x256xf32, #tpu.memory_space<vmem>>, vector<1x256xf32>,
    } else {
    }
    %get3A_12 = arith.constant 0 : index
    %get3A_13 = arith.constant 0 : index
    %get3A_14 = vector.load %arg4[%get3A_12, %get3A_13] : memref<1x256xf32, #tpu.memory_space<vmem>>, vector<1x256xf32>
    %add3A = arith.addf %get3A_14, %dot_general3A_9 : vector<1x256xf32>
    %swap3A = arith.constant 0 : index
    %swap3A_15 = arith.constant 0 : index
    %swap3A_16 = vector.load %arg4[%swap3A, %swap3A_15] : memref<1x256xf32, #tpu.memory_space<vmem>>, vector<1x256xf32>
    tpu.vector_store %arg4[%swap3A, %swap3A_15], %add3A {strides = array<i32>} : memref<1x256xf32, #tpu.memory_space<vmem>>, vector<1x256xf32>,
    return
  }
  func.func @transform_0(%arg0: i32) -> (i32, i32, i32) {
    %c0_i32 = arith.constant 0 : i32
    %c0_i32_0 = arith.constant 0 : i32
    %c0_i32_1 = arith.constant 0 : i32
    return %arg0, %c0_i32, %c0_i32_0 : i32, i32, i32
  }
  func.func @transform_1(%arg0: i32) -> (i32, i32, i32) {
    %c0_i32 = arith.constant 0 : i32
    %c0_i32_0 = arith.constant 0 : i32
    %c0_i32_1 = arith.constant 0 : i32
    return %arg0, %c0_i32, %c0_i32_0 : i32, i32, i32
  }
  func.func @transform_2(%arg0: i32) -> (i32, i32) {
    %c0_i32 = arith.constant 0 : i32
    %c0_i32_0 = arith.constant 0 : i32
    %c0_i32_1 = arith.constant 0 : i32
    return %c0_i32, %c0_i32_0 : i32, i32
  }
  func.func @transform_3(%arg0: i32) -> (i32, i32) {
    %c0_i32 = arith.constant 0 : i32
    %c0_i32_0 = arith.constant 0 : i32
    %c0_i32_1 = arith.constant 0 : i32
    return %c0_i32, %c0_i32_0 : i32, i32
  }
}

</mosaic_0001>

<sc_bundles>
// kernel: kernel.5.cloned.1.call-start
scs
__scs_entry_jumppad:
0x0: {  	(pc) =	sbr.rel $0x88, $3  }
0x1: {  	(tag) =	ssettag $0x0;
	lr =	simm.s32 $0x1  }
0x2: {  	[smem:$0x3F98] =	sst lr;
	_ =	strace $0xD0000000  }
0x3: {  	_ = 	snop  }
0x4: {  	_ = 	snop  }
0x5: {  	_ = 	snop  }
0x6: {  	_ = 	snop  }
0x7: {  	_ = 	snop  }
__scs_overlays_trampoline_lowered:
0x8: {  	[smem:$0x3FA7] =	sst s0  }
0x9: {  	[smem:$0x3FA8] =	sst s1  }
0xa: {  	[smem:$0x3FA9] =	sst s2  }
0xb: {  	[smem:$0x3FAA] =	sst s3  }
0xc: {  	[smem:$0x3FAB] =	sst s4  }
0xd: {  	[smem:$0x3FAC] =	sst s5  }
0xe: {  	[smem:$0x3FAD] =	sst s6  }
0xf: {  	[smem:$0x3FAE] =	sst s7  }
0x10: {  	[smem:$0x3FAF] =	sst s8  }
0x11: {  	[smem:$0x3FB0] =	sst s9;
	s0 =	simm.s32 @!p0 $0x0  }
0x12: {  	s1 =	sld [smem:$0x3F96];
	s0 =	simm.s32 @p0 $0x1  }
0x13: {  	[smem:$0x3FB1] =	sst s0;
	s0 =	simm.s32 @!p1 $0x0  }
0x14: {  	s2 =	sld [smem:$0x3F95];
	s0 =	simm.s32 @p1 $0x1  }
0x15: {  	[smem:$0x3FB2] =	sst s0;
	s0 =	simm.s32 @!p2 $0x0  }
0x16: {  	s3 =	sld [smem:$0x3FDB];
	s0 =	simm.s32 @p2 $0x1  }
0x17: {  	s4 =	simm.s32 $0x1BF5;
	[smem:$0x3FB4] =	sst s0  }
0x18: {  	s0 =	sld [smem:$0x3F97];
	_ =	swait.ge [sflag:s4], $0x0  }
0x19: {  	s7 =	sld [smem:$0x3F98]  }
0x1a: {  	s8 =	sadd.s32 $0xFFFFE003, lr  }
0x1b: {  	s9 =	sadd.s32 $0xFFFFFEF7, lr;
	s5 =	simm.s32 $0xFFFFFFFF;
	p2 =	slt.u32 s8, $0xFFFFF086  }
0x1c: {  	p1 =	slt.u32 s9, $0xF7A;
	s5 =	simm.s32 @!p2 $0x0  }
0x1d: {  	s5 =	simm.s32 @p1 $0x1;
	p0 =	seq.s32 s7, s2  }
0x1e: {  	s7 =	smul.u32 @!p0 $0xF7A, s2;
	p2 =	seq.s32 @!p0 s5, $0x0  }
0x1f: {  	s9 =	smul.u32 $0xF7A, s1;
	s8 =	simm.s32 @!p0 $0x1BF5;
	p2 =	por !p2, p0  }
0x20: {  	[sflag:s8] =	ssyncset.s32 @!p0 $0xFFFFF086;
	s6 =	sadd.s32 @!p0 s3, s7;
	s7 =	simm.s32 @!p0 $0x108  }
0x21: {  	s3 =	sadd.s32 s3, s9;
	s6 =	sadd.s32 @!p0 $0x88, s6;
	s7 =	simm.s32 @p2 $0x1082  }
0x22: {  	[simem:s7], [sflag:s8] =	dma.local @!p0 [hbm:s6], $0xF7A  }
0x23: {  	s9 =	sor.u32 $0xD0000000, s2;
	s6 =	simm.s32 $0x108;
	_ =	swait.ge @!p0 [sflag:s8], $0x0  }
0x24: {  	s3 =	sadd.s32 $0x88, s3;
	s6 =	simm.s32 @!p1 $0x1082;
	[sflag:s4] =	ssyncset.s32 $0xFFFFF086  }
0x25: {  	[simem:s6], [sflag:s4] =	dma.local [hbm:s3], $0xF7A  }
0x26: {  	[smem:$0x3F98] =	sst s1;
	(tag) =	ssettag s2;
	_ =	strace s9  }
0x27: {  	s1 =	sld [smem:$0x3FA8]  }
0x28: {  	s2 =	sld [smem:$0x3FA9]  }
0x29: {  	s4 =	sld [smem:$0x3FAB]  }
0x2a: {  	p0 =	seq.s32 s5, $0x0;
	s5 =	sld [smem:$0x3FAC]  }
0x2b: {  	s6 =	sld [smem:$0x3FAD]  }
0x2c: {  	s7 =	sld [smem:$0x3FAE]  }
0x2d: {  	s3 =	simm.s32 $0x108;
	s8 =	sld [smem:$0x3FAF]  }
0x2e: {  	s3 =	simm.s32 @!p0 $0x1082;
	s9 =	sld [smem:$0x3FB0]  }
0x2f: {  	lr =	sadd.s32 s0, s3;
	s0 =	sld [smem:$0x3FA7]  }
0x30: {  	s3 =	sld [smem:$0x3FAA]  }
0x31: {  	[smem:$0x3FB3] =	sst s10  }
0x32: {  	s10 =	sld [smem:$0x3FB1];
	_ =	sdelay $0x3  }
0x33: {  	p0 =	seq.s32 s10, $0x1;
	s10 =	sld [smem:$0x3FB3];
	_ =	sdelay $0x3  }
0x34: {  	[smem:$0x3FB3] =	sst s10  }
0x35: {  	s10 =	sld [smem:$0x3FB2];
	_ =	sdelay $0x3  }
0x36: {  	p1 =	seq.s32 s10, $0x1;
	s10 =	sld [smem:$0x3FB3];
	_ =	sdelay $0x3  }
0x37: {  	[smem:$0x3FB3] =	sst s10  }
0x38: {  	s10 =	sld [smem:$0x3FB4]  }
0x39: {  	_ = 	snop;
	(pc) =	sbr.ind lr, $3  }
0x3a: {  	_ = 	snop  }
0x3b: {  	_ = 	snop  }
0x3c: {  	p2 =	seq.s32 s10, $0x1;
	s10 =	sld [smem:$0x3FB3]  }
0x3d: {  	_ =	shalt  }
0x3e: {  	_ =	shalt  }
0x3f: {  	_ =	shalt  }
0x40: {  	_ =	shalt  }
0x41: {  	_ =	shalt  }
0x42: {  	_ =	shalt  }
0x43: {  	_ =	shalt  }
0x44: {  	_ =	shalt  }
0x45: {  	_ =	shalt  }
0x46: {  	_ =	shalt  }
0x47: {  	_ =	shalt  }
0x48: {  	_ =	shalt  }
0x49: {  	_ =	shalt  }
0x4a: {  	_ =	shalt  }
0x4b: {  	_ =	shalt  }
0x4c: {  	_ =	shalt  }
0x4d: {  	_ =	shalt  }
0x4e: {  	_ =	shalt  }
0x4f: {  	_ =	shalt  }
0x50: {  	_ =	shalt  }
0x51: {  	_ =	shalt  }
0x52: {  	_ =	shalt  }
0x53: {  	_ =	shalt  }
0x54: {  	_ =	shalt  }
0x55: {  	_ =	shalt  }
0x56: {  	_ =	shalt  }
0x57: {  	_ =	shalt  }
0x58: {  	_ =	shalt  }
0x59: {  	_ =	shalt  }
0x5a: {  	_ =	shalt  }
0x5b: {  	_ =	shalt  }
0x5c: {  	_ =	shalt  }
0x5d: {  	_ =	shalt  }
0x5e: {  	_ =	shalt  }
0x5f: {  	_ =	shalt  }
0x60: {  	_ =	shalt  }
0x61: {  	_ =	shalt  }
0x62: {  	_ =	shalt  }
0x63: {  	_ =	shalt  }
0x64: {  	_ =	shalt  }
0x65: {  	_ =	shalt  }
0x66: {  	_ =	shalt  }
0x67: {  	_ =	shalt  }
0x68: {  	_ =	shalt  }
0x69: {  	_ =	shalt  }
0x6a: {  	_ =	shalt  }
0x6b: {  	_ =	shalt  }
0x6c: {  	_ =	shalt  }
0x6d: {  	_ =	shalt  }
0x6e: {  	_ =	shalt  }
0x6f: {  	_ =	shalt  }
0x70: {  	_ =	shalt  }
0x71: {  	_ =	shalt  }
0x72: {  	_ =	shalt  }
0x73: {  	_ =	shalt  }
0x74: {  	_ =	shalt  }
0x75: {  	_ =	shalt  }
0x76: {  	_ =	shalt  }
0x77: {  	_ =	shalt  }
0x78: {  	_ =	shalt  }
0x79: {  	_ =	shalt  }
0x7a: {  	_ =	shalt  }
0x7b: {  	_ =	shalt  }
0x7c: {  	_ =	shalt  }
0x7d: {  	_ =	shalt  }
0x7e: {  	_ =	shalt  }
0x7f: {  	_ =	shalt  }
0x80: {  	_ =	shalt  }
0x81: {  	_ =	shalt  }
0x82: {  	_ =	shalt  }
0x83: {  	_ =	shalt  }
0x84: {  	_ =	shalt  }
0x85: {  	_ =	shalt  }
0x86: {  	_ =	shalt  }
0x87: {  	_ =	shalt  }
.Lfunc_end0:
.L_simem_size_0:
called_computation_lowered:
.L_overlay_start_0:
0x88: {  	s2 =	sld [smem:$0x3FD9]  }
0x89: {  	s3 =	sld [smem:$0x3FFE];
	_ =	sdelay $0x1  }
0x8a: {  	s1 =	srdreg.scid  }
0x8b: {  	s0 =	sand.u32 $0x1, s1  }
0x8c: {  	s17 =	sshll.u32 s0, $0xA;
	s2 =	sadd.s32 s3, s2  }
0x8d: {  	s2 =	sadd.s32 s2, s17  }
0x8e: {  	[smem:$0x3FBF] =	sst s2  }
0x8f: {  	_ = 	snop  }
0x90: {  	s2 =	sld [smem:$0x3FC8]  }
0x91: {  	s18 =	sld [smem:$0x3FC7]  }
0x92: {  	s4 =	sld [smem:$0x3FC6];
	(tm) =	ssettm $0x1  }
0x93: {  	s5 =	sld [smem:$0x3FFB];
	_ =	sdelay $0x3  }
0x94: {  	_ =	strace s5  }
0x95: {  	s5 =	sld [smem:$0x3FFC];
	_ =	sdelay $0x3  }
0x96: {  	_ =	strace s5  }
0x97: {  	s5 =	sld [smem:$0x3FFD];
	_ =	sdelay $0x3  }
0x98: {  	_ =	strace s5  }
0x99: {  	_ =	strace $0x8FFFFFFF  }
0x9a: {  	s19 =	sld [smem:$0x3FDB];
	_ =	sdelay $0x1  }
0x9b: {  	s6 =	simm.s32 $_scs_section_size  }
0x9c: {  	s7 =	simm.s32 $_size__tile_overlayer_lowered;
	s8 =	simm.s32 $_tile_overlayer_lowered  }
0x9d: {  	s22 =	simm.s32 $0x1BFF;
	s21 =	sshll.u32 s8, $0x1;
	s5 =	sadd.s32 s6, s19  }
0x9e: {  	s9 =	simm.s32 $0x0;
	s20 =	sshll.u32 s7, $0x1;
	s7 =	sadd.s32 s21, s5  }
0x9f: {  	[timem:s9], [sflag:s22] =	dma.local [hbm:s7], s20  }
0xa0: {  	_ =	swait.ge [sflag:s22], s20  }
0xa1: {  	s6 =	ssub.s32 $0x0, s20;
	[sflag:s22] =	ssyncset.done $0x0  }
0xa2: {  	[sflag:s22] =	ssyncadd.s32 s6;
	_ =	sdelay $0x1  }
0xa3: {  	s23 =	simm.s32 $0x1B8B  }
0xa4: {  	_ =	swait.ge [sflag:s23], $0x1  }
0xa5: {  	[sflag:s23] =	ssyncset.done $0x0  }
0xa6: {  	s25 =	simm.s32 $0x1B8E;
	s24 =	sld [smem:$0x3FFE];
	[sflag:s23] =	ssyncadd.s32 $0xFFFFFFFF  }
0xa7: {  	s26 =	simm.s32 $execute0_lowered;
	[smem:$0x3FD2] =	sst s25  }
0xa8: {  	s7 =	sshll.u32 s26, $0x1;
	_ =	strace $0x80000046;
	[dreg:$0x1] =	wrdreg $0xFFFFFFFF  }
0xa9: {  	s28 =	simm.s32 $_size_execute0_lowered;
	s5 =	sadd.s32 s5, s7;
	[dreg:$0x0] =	wrdreg $0x0  }
0xaa: {  	s7 =	sshll.u32 s28, $0x1;
	[dreg:$0x2] =	wrdreg s5  }
0xab: {  	[dreg:$0x3] =	wrdreg s7  }
0xac: {  	[dreg:$0x4] =	wrdreg $0xC0  }
0xad: {  	_ =	task [dreg:s9], $0x5FFFF  }
0xae: {  	[dreg:$0x1] =	wrdreg $0xFFFFFFFF  }
0xaf: {  	[dreg:$0x0] =	wrdreg $0x60  }
0xb0: {  	[dreg:$0x2] =	wrdreg s2  }
0xb1: {  	[dreg:$0x3] =	wrdreg s18  }
0xb2: {  	[dreg:$0x4] =	wrdreg s4  }
0xb3: {  	[dreg:$0x5] =	wrdreg s24  }
0xb4: {  	[dreg:$0x6] =	wrdreg $0x7CF80  }
0xb5: {  	[dreg:$0x7] =	wrdreg $0x7A800  }
0xb6: {  	[dreg:$0x8] =	wrdreg $0x9  }
0xb7: {  	_ =	task.clear_ibuf [dreg:s9], $0x9FFFF;
	_ =	strace $0x90000046  }
0xb8: {  	s29 =	simm.s32 $0x9;
	_ =	strace $0x80000048  }
0xb9: {  	_ =	swait.ge [sflag:s29], $0x1  }
0xba: {  	[sflag:s29] =	ssyncadd.s32 $0xFFFFFFFF  }
0xbb: {  	_ =	strace $0x90000048  }
0xbc: {  	_ =	sfence  }
0xbd: {  	s30 =	sld [smem:$0x0];
	_ =	sdelay $0x2  }
0xbe: {  	s31 =	sshll.u32 s1, $0xD;
	s1 =	sshrl.u32 s1, $0x2  }
0xbf: {  	s3 =	sand.u32 $0x4000, s31;
	s1 =	sadd.s32 s1, s30  }
0xc0: {  	s0 =	sor.u32 s3, s0;
	s1 =	sshll.u32 s1, $0x11  }
0xc1: {  	s0 =	sor.u32 s1, s0  }
0xc2: {  	s0 =	sadd.s32 $0x8F2B, s0  }
0xc3: {  	[sflag:s0] =	ssyncadd.remote.s32 $0x1  }
0xc4: {  	_ =	sfence.sel $0xFFFF  }
0xc5: {  	[dreg:$0x0] =	wrdreg $0xFFFFFFFF;
	(pc) =	sbr.abs _section_cstart, $3  }
0xc6: {  	[dreg:$0x1] =	wrdreg $0xFFFFFFFF  }
0xc7: {  	_ =	task.clear_ibuf [dreg:s9], $0x2FFFF;
	_ =	strace $0x9FFFFFFF  }
0xc8: {  	(tm) =	ssettm $0x7FFFFFFF  }
0xc9: {  	_ =	shalt  }
tec
execute0_lowered:
.L_overlay_start_1:
0x0: {  	(tag) =	ssettag $0x1  }
0x1: {  	s6 =	rddreg [dreg:$0x0]  }
0x2: {  	s7 =	rddreg [dreg:$0x1]  }
0x3: {  	s8 =	rddreg [dreg:$0x2]  }
0x4: {  	s9 =	rddreg [dreg:$0x3]  }
0x5: {  	s0 =	rddreg [dreg:$0x4]  }
0x6: {  	s1 =	rddreg [dreg:$0x5];
	s3 =	srdreg.scid  }
0x7: {  	s12 =	stileid.u32;
	s16 =	simm.s32 $0x1;
	s17 =	simm.s32 $0x4980  }
0x8: {  	s20 =	simm.s32 $0x0;
	s10 =	sand.u32 $0x1, s3;
	s3 =	simm.s32 $0x0  }
0x9: {  	s5 =	sadd.s32 $0x1200, s9;
	s15 =	smul.u32 $0x186A, s12;
	p0 =	sne.s32 s12, $0x0  }
0xa: {  	s2 =	smov.u32 s0;
	s11 =	sshll.u32 s10, $0x4;
	[smem:$0x7FF] =	sst s3  }
0xb: {  	s30 =	ssub.s32 $0x2, s10;
	s10 =	smul.u32 $0x186A0, s10;
	s4 =	sor.u32 s12, s11  }
0xc: {  	_ =	strace $0x80000047;
	s14 =	sshrl.u32 s30, $0x1;
	s12 =	simm.s32 $0x1880  }
0xd: {  	s18 =	smul.u32 $0x186A, s4;
	s4 =	sadd.s32 $0xC00, s9;
	s9 =	sadd.s32 s11, s9  }
0xe: {  	s11 =	ssub.s32 s30, s14;
	s10 =	sadd.s32 s15, s10;
	s14 =	sshrl.u32 @!p0 s0, $0x3  }
0xf: {  	s15 =	sshrl.u32 @!p0 s1, $0x3;
	s9 =	sadd.s32 $0x2C00, s9;
	s13 =	sand.u32 $0x3FFF8, s18  }
0x10: {  	s31 =	sand.u32 $0x3FFF8, s10;
	s10 =	smax.u32 s11, $0x1;
	s13 =	smin.u32 s13, $0x2F4C0  }
0x11: {  	s19 =	sadd.s32 $0x186A, s18;
	s11 =	smin.u32 s31, $0x2F4C0;
	s13 =	sshrl.u32 s13, $0x3  }
0x12: {  	v0 =	vmov s18;
	s18 =	simm.s32 $0x2;
	v1 =	vmov s19;
	s19 =	simm.s32 $0x6200;
	s6 =	sadd.s32 s6, s13  }
0x13: {  	v2 =	vlaneseq.u32;
	s7 =	sadd.s32 s7, s13;
	s8 =	sadd.s32 s8, s13;
	s13 =	smov.u32 s1  }
.LBB2_1:
0x14: {  	[tilespmem:s3], [sflag:$0x1] =	stream.linear.gather [hbm4b:s6+s3], $0x1880, $0x38;
	[tilespmem:$0x89F8] =	vst v63  }
0x15: {  	_ = 	snop  }
0x16: {  	[tilespmem:s12], [sflag:$0x1] =	stream.linear.gather [hbm4b:s7+s3], $0x1880, $0x38;
	[tilespmem:$0x89F8] =	vst v63  }
0x17: {  	s0 =	simm.s32 $0x3100;
	s21 =	simm.s32 @!p0 $0x1C02;
	s22 =	simm.s32 @!p0 $0x2  }
0x18: {  	[tilespmem:s0], [sflag:$0x1] =	stream.linear.gather [hbm4b:s8+s3], $0x1880, $0x38;
	[tilespmem:$0x89F8] =	vst v63  }
0x19: {  	[spmem:s14], [sflag:s21] =	dma.local @!p0 [hbm:s5], $0x1A00  }
0x1a: {  	_ =	swait.ge @!p0 [sflag:s22], $0x1A00  }
0x1b: {  	[sflag:s22] =	ssyncset.done @!p0 $0x0  }
0x1c: {  	[sflag:s22] =	ssyncadd.s32 @!p0 $0xFFFFE600  }
0x1d: {  	[spmem:s15], [sflag:s21] =	dma.local @!p0 [hbm:s4], $0x4F0  }
0x1e: {  	_ =	swait.ge @!p0 [sflag:s22], $0x4F0  }
0x1f: {  	[sflag:s22] =	ssyncset.done @!p0 $0x0  }
0x20: {  	[sflag:s22] =	ssyncadd.s32 @!p0 $0xFFFFFB10  }
0x21: {  	_ =	swait.ge [sflag:s16], $0x1880  }
0x22: {  	[sflag:s16] =	ssyncset.done $0x0  }
0x23: {  	[sflag:s16] =	ssyncadd.s32 $0xFFFFE780  }
0x24: {  	_ =	swait.ge [sflag:s16], $0x1880  }
0x25: {  	[sflag:s16] =	ssyncset.done $0x0  }
0x26: {  	[sflag:s16] =	ssyncadd.s32 $0xFFFFE780  }
0x27: {  	_ =	swait.ge [sflag:s16], $0x1880  }
0x28: {  	[sflag:s16] =	ssyncset.done $0x0  }
0x29: {  	[sflag:s16] =	ssyncadd.s32 $0xFFFFE780  }
0x2a: {  	[bflag:$0x0] =	sbarrier.arrive $0xFFFF  }
0x2b: {  	[tilespmem:s17], [sflag:$0x2] =	stream.indirect.gather [spmem:s13], $0x1, s12, s12, $0xb8;
	[tilespmem:$0x89F8] =	vst v63  }
0x2c: {  	_ =	swait.ge [sflag:s18], $0x1880  }
0x2d: {  	[sflag:s18] =	ssyncset.done $0x0  }
0x2e: {  	s21 =	simm.s32 $0x49C0;
	[sflag:s18] =	ssyncadd.s32 $0xFFFFE780  }
0x2f: {  	s22 =	simm.s32 $0x3140;
	v3 =	vld [tilespmem:s21+$0xFFFFFFC0]  }
0x30: {  	v4 =	vld [tilespmem:s22+$0xFFFFFFC0];
	_ =	sdelay $0x2  }
0x31: {  	s24 =	sadd.s32 $0x0, s11  }
0x32: {  	v5 =	vadd.s32 s24, v2  }
0x33: {  	vm0 =	vge.u32 v5, v0;
	vm1 =	vlt.u32 v5, v1;
	v3 =	vmul.f32 v3, v4  }
0x34: {  	vm0 =	vmand vm0, vm1  }
0x35: {  	s23 =	simm.s32 $0x6240;
	v3 =	vnsel vm0, $0x0, v3  }
0x36: {  	[tilespmem:s23+$0xFFFFFFC0] =	vst v3  }
0x37: {  	v3 =	vld [tilespmem:s22+$0xFFFFFFD0]  }
0x38: {  	v4 =	vld [tilespmem:s21+$0xFFFFFFD0];
	_ =	sdelay $0x2  }
0x39: {  	s25 =	sadd.s32 $0x10, s24  }
0x3a: {  	v5 =	vadd.s32 s25, v2  }
0x3b: {  	vm1 =	vlt.u32 v5, v1;
	vm0 =	vge.u32 v5, v0;
	v3 =	vmul.f32 v4, v3  }
0x3c: {  	vm0 =	vmand vm0, vm1  }
0x3d: {  	v3 =	vnsel vm0, $0x0, v3  }
0x3e: {  	[tilespmem:s23+$0xFFFFFFD0] =	vst v3  }
0x3f: {  	v3 =	vld [tilespmem:s22+$0xFFFFFFE0]  }
0x40: {  	v4 =	vld [tilespmem:s21+$0xFFFFFFE0];
	_ =	sdelay $0x2  }
0x41: {  	s26 =	sadd.s32 $0x20, s24  }
0x42: {  	v5 =	vadd.s32 s26, v2  }
0x43: {  	vm1 =	vlt.u32 v5, v1;
	vm0 =	vge.u32 v5, v0;
	v3 =	vmul.f32 v4, v3  }
0x44: {  	vm0 =	vmand vm0, vm1  }
0x45: {  	v3 =	vnsel vm0, $0x0, v3  }
0x46: {  	[tilespmem:s23+$0xFFFFFFE0] =	vst v3  }
0x47: {  	v3 =	vld [tilespmem:s22+$0xFFFFFFF0]  }
0x48: {  	v4 =	vld [tilespmem:s21+$0xFFFFFFF0];
	_ =	sdelay $0x2  }
0x49: {  	s28 =	sadd.s32 $0x30, s24  }
0x4a: {  	v5 =	vadd.s32 s28, v2  }
0x4b: {  	vm1 =	vlt.u32 v5, v1;
	vm0 =	vge.u32 v5, v0;
	v3 =	vmul.f32 v4, v3  }
0x4c: {  	vm0 =	vmand vm0, vm1  }
0x4d: {  	v3 =	vnsel vm0, $0x0, v3  }
0x4e: {  	[tilespmem:s23+$0xFFFFFFF0] =	vst v3  }
0x4f: {  	v3 =	vld [tilespmem:s22+$0x0]  }
0x50: {  	v4 =	vld [tilespmem:s21+$0x0];
	_ =	sdelay $0x2  }
0x51: {  	s29 =	sadd.s32 $0x40, s24  }
0x52: {  	v5 =	vadd.s32 s29, v2  }
0x53: {  	vm1 =	vlt.u32 v5, v1;
	vm0 =	vge.u32 v5, v0;
	v3 =	vmul.f32 v4, v3  }
0x54: {  	vm0 =	vmand vm0, vm1  }
0x55: {  	v3 =	vnsel vm0, $0x0, v3  }
0x56: {  	[tilespmem:s23+$0x0] =	vst v3  }
0x57: {  	v3 =	vld [tilespmem:s22+$0x10]  }
0x58: {  	v4 =	vld [tilespmem:s21+$0x10];
	_ =	sdelay $0x2  }
0x59: {  	s30 =	sadd.s32 $0x50, s24  }
0x5a: {  	v5 =	vadd.s32 s30, v2  }
0x5b: {  	vm1 =	vlt.u32 v5, v1;
	vm0 =	vge.u32 v5, v0;
	v3 =	vmul.f32 v4, v3  }
0x5c: {  	vm0 =	vmand vm0, vm1  }
0x5d: {  	v3 =	vnsel vm0, $0x0, v3  }
0x5e: {  	[tilespmem:s23+$0x10] =	vst v3  }
0x5f: {  	v3 =	vld [tilespmem:s22+$0x20]  }
0x60: {  	v4 =	vld [tilespmem:s21+$0x20];
	_ =	sdelay $0x2  }
0x61: {  	s31 =	sadd.s32 $0x60, s24  }
0x62: {  	v5 =	vadd.s32 s31, v2  }
0x63: {  	vm1 =	vlt.u32 v5, v1;
	vm0 =	vge.u32 v5, v0;
	v3 =	vmul.f32 v4, v3  }
0x64: {  	vm0 =	vmand vm0, vm1  }
0x65: {  	s24 =	sadd.s32 $0x70, s24;
	v3 =	vnsel vm0, $0x0, v3  }
0x66: {  	v4 =	vadd.s32 s24, v2;
	[tilespmem:s23+$0x20] =	vst v3  }
0x67: {  	vm1 =	vlt.u32 v4, v1;
	vm0 =	vge.u32 v4, v0;
	v3 =	vld [tilespmem:s22+$0x30]  }
0x68: {  	s25 =	simm.s32 $0x6240;
	s24 =	simm.s32 $0x80;
	vm0 =	vmand vm0, vm1;
	v4 =	vld [tilespmem:s21+$0x30]  }
.LBB2_2:
0x69: {  	s22 =	sadd.s32 $0x80, s22;
	s21 =	sadd.s32 $0x80, s21;
	s23 =	sadd.s32 $0x80, s23  }
0x6a: {  	p1 =	sne.s32 s24, $0x1800;
	s26 =	smov.u32 s24;
	s24 =	sadd.s32 $0x80, s24  }
0x6b: {  	_ =	sdelay $0x1  }
0x6c: {  	v3 =	vmul.f32 v4, v3;
	_ =	sdelay $0x1  }
0x6d: {  	v3 =	vnsel vm0, $0x0, v3  }
0x6e: {  	[tilespmem:s25+$0x30] =	vst v3;
	s25 =	smov.u32 s23  }
0x6f: {  	v3 =	vld [tilespmem:s21+$0xFFFFFFC0]  }
0x70: {  	v4 =	vld [tilespmem:s22+$0xFFFFFFC0];
	_ =	sdelay $0x2  }
0x71: {  	s26 =	sadd.s32 s26, s11  }
0x72: {  	v5 =	vadd.s32 s26, v2;
	s28 =	sadd.s32 $0x10, s26;
	s29 =	sadd.s32 $0x20, s26;
	s30 =	sadd.s32 $0x30, s26  }
0x73: {  	s31 =	sadd.s32 $0x40, s26;
	s0 =	sadd.s32 $0x50, s26;
	s1 =	sadd.s32 $0x60, s26;
	vm1 =	vlt.u32 v5, v1;
	vm0 =	vge.u32 v5, v0;
	v3 =	vmul.f32 v3, v4  }
0x74: {  	s26 =	sadd.s32 $0x70, s26;
	v5 =	vadd.s32 s29, v2;
	vm0 =	vmand vm0, vm1;
	v4 =	vadd.s32 s28, v2  }
0x75: {  	vm1 =	vlt.u32 v4, v1;
	v3 =	vnsel vm0, $0x0, v3;
	vm0 =	vge.u32 v4, v0  }
0x76: {  	vm5 =	vge.u32 v5, v0;
	[tilespmem:s23+$0xFFFFFFC0] =	vst v3;
	vm6 =	vmand vm0, vm1;
	v3 =	vadd.s32 s30, v2  }
0x77: {  	v4 =	vld [tilespmem:s22+$0xFFFFFFD0];
	vm0 =	vge.u32 v3, v0;
	vm1 =	vlt.u32 v3, v1;
	v3 =	vadd.s32 s31, v2  }
0x78: {  	v6 =	vld [tilespmem:s21+$0xFFFFFFD0];
	vm4 =	vmand vm0, vm1;
	vm0 =	vge.u32 v3, v0;
	vm1 =	vlt.u32 v3, v1  }
0x79: {  	v7 =	vadd.s32 s1, v2;
	v3 =	vadd.s32 s0, v2;
	vm3 =	vmand vm0, vm1  }
0x7a: {  	vm7 =	vge.u32 v7, v0;
	vm0 =	vge.u32 v3, v0;
	vm1 =	vlt.u32 v3, v1  }
0x7b: {  	v3 =	vadd.s32 s26, v2;
	vm2 =	vmand vm0, vm1;
	vm0 =	vlt.u32 v7, v1  }
0x7c: {  	vm1 =	vmand vm7, vm0;
	vm0 =	vge.u32 v3, v0;
	vm7 =	vlt.u32 v3, v1  }
0x7d: {  	vm0 =	vmand vm0, vm7;
	v3 =	vmul.f32 v6, v4;
	_ =	sdelay $0x1  }
0x7e: {  	v3 =	vnsel vm6, $0x0, v3  }
0x7f: {  	[tilespmem:s23+$0xFFFFFFD0] =	vst v3  }
0x80: {  	v3 =	vld [tilespmem:s22+$0xFFFFFFE0]  }
0x81: {  	v4 =	vld [tilespmem:s21+$0xFFFFFFE0];
	_ =	sdelay $0x2  }
0x82: {  	vm6 =	vlt.u32 v5, v1  }
0x83: {  	vm5 =	vmand vm5, vm6  }
0x84: {  	v3 =	vmul.f32 v4, v3;
	_ =	sdelay $0x1  }
0x85: {  	v3 =	vnsel vm5, $0x0, v3  }
0x86: {  	[tilespmem:s23+$0xFFFFFFE0] =	vst v3  }
0x87: {  	v3 =	vld [tilespmem:s22+$0xFFFFFFF0]  }
0x88: {  	v4 =	vld [tilespmem:s21+$0xFFFFFFF0];
	_ =	sdelay $0x4  }
0x89: {  	v3 =	vmul.f32 v4, v3;
	_ =	sdelay $0x1  }
0x8a: {  	v3 =	vnsel vm4, $0x0, v3  }
0x8b: {  	[tilespmem:s23+$0xFFFFFFF0] =	vst v3  }
0x8c: {  	v3 =	vld [tilespmem:s22+$0x0]  }
0x8d: {  	v4 =	vld [tilespmem:s21+$0x0];
	_ =	sdelay $0x4  }
0x8e: {  	v3 =	vmul.f32 v4, v3;
	_ =	sdelay $0x1  }
0x8f: {  	v3 =	vnsel vm3, $0x0, v3  }
0x90: {  	[tilespmem:s23+$0x0] =	vst v3  }
0x91: {  	v3 =	vld [tilespmem:s22+$0x10]  }
0x92: {  	v4 =	vld [tilespmem:s21+$0x10];
	_ =	sdelay $0x4  }
0x93: {  	v3 =	vmul.f32 v4, v3;
	_ =	sdelay $0x1  }
0x94: {  	v3 =	vnsel vm2, $0x0, v3  }
0x95: {  	[tilespmem:s23+$0x10] =	vst v3  }
0x96: {  	v3 =	vld [tilespmem:s22+$0x20]  }
0x97: {  	v4 =	vld [tilespmem:s21+$0x20];
	_ =	sdelay $0x4  }
0x98: {  	v3 =	vmul.f32 v4, v3  }
.Ltmp0:
0x99: {  	(pc) =	sbr.rel @p1 .LBB2_2-.Ltmp0, $4  }
0x9a: {  	v3 =	vnsel vm1, $0x0, v3  }
0x9b: {  	[tilespmem:s23+$0x20] =	vst v3  }
0x9c: {  	v3 =	vld [tilespmem:s22+$0x30]  }
0x9d: {  	v4 =	vld [tilespmem:s21+$0x30]  }
0x9e: {  	_ =	sdelay $0x3  }
0x9f: {  	v3 =	vmul.f32 v4, v3;
	_ =	sdelay $0x1  }
0xa0: {  	v3 =	vnsel vm0, $0x0, v3  }
0xa1: {  	[tilespmem:s25+$0x30] =	vst v3  }
0xa2: {  	[spmem:s2] =	stream.indirect.scatter.add.f32 [tilespmem:s19], [sflag:$0x2], $0x1, s3, s12, $0xb8;
	[tilespmem:$0x89F8] =	vst v63  }
0xa3: {  	_ =	swait.ge [sflag:s18], $0x1880  }
0xa4: {  	s0 =	simm.s32 @!p0 $0x1;
	s1 =	simm.s32 @!p0 $0x20;
	[sflag:s18] =	ssyncset.done $0x0  }
0xa5: {  	s21 =	simm.s32 @!p0 $0x10;
	s20 =	sadd.s32 $0x1, s20;
	[sflag:s18] =	ssyncadd.s32 $0xFFFFE780  }
0xa6: {  	s22 =	simm.s32 @!p0 $0x1C02;
	p1 =	sne.s32 s20, s10;
	[bflag:$0x0] =	sbarrier.arrive $0xFFFF  }
0xa7: {  	[hbm:s9@s1], [sflag:s22] =	dma.strided @!p0 [spmem:s14@s21], $0x1A00, s0, $0x10   }
.Ltmp1:
0xa8: {  	_ = 	snop;
	(pc) =	sbr.rel @p1 .LBB2_1-.Ltmp1, $4  }
0xa9: {  	s0 =	simm.s32 @!p0 $0x2  }
0xaa: {  	_ =	swait.ge @!p0 [sflag:s0], $0x1A00  }
0xab: {  	[sflag:s0] =	ssyncset.done @!p0 $0x0  }
0xac: {  	[sflag:s0] =	ssyncadd.s32 @!p0 $0xFFFFE600  }
0xad: {  	_ =	sfence.sel $0x180000  }
0xae: {  	[bflag:$0x0] =	sbarrier.arrive $0xFFFF  }
0xaf: {  	_ =	strace $0x90000047  }
0xb0: {  	[bflag:$0x2] =	sbarrier.arrive $0xFFFF  }
0xb1: {  	s0 =	rddreg [dreg:$0x6]  }
0xb2: {  	s0 =	sadd.s32 @!p0 $0x100000, s0  }
0xb3: {  	[sflag:s0] =	ssyncadd.tile.s32 @!p0 $0x1;
	_ =	shalt  }
.Lfunc_end2:
_tile_overlayer_lowered:
.L_overlay_start_2:
0xb4: {  	(tag) =	ssettag $0x2  }
0xb5: {  	s0 =	rddreg [dreg:$0x0];
	s2 =	stileid.u32  }
0xb6: {  	s1 =	rddreg [dreg:$0x1];
	p0 =	sne.s32 s2, $0x0  }
0xb7: {  	s3 =	rddreg [dreg:$0x2];
	[bflag:$0x3] =	sbarrier.arrive $0xFFFF;
	s2 =	simm.s32 @!p0 $0x1C02  }
0xb8: {  	[timem:s3], [sflag:s2] =	dma.local @!p0 [hbm:s0], s1  }
0xb9: {  	s0 =	simm.s32 @!p0 $0x2  }
0xba: {  	_ =	swait.ge @!p0 [sflag:s0], s1  }
0xbb: {  	s1 =	ssub.s32 @!p0 $0x0, s1;
	[sflag:s0] =	ssyncset.done @!p0 $0x0  }
0xbc: {  	[sflag:s0] =	ssyncadd.s32 @!p0 s1  }
0xbd: {  	[bflag:$0x3] =	sbarrier.arrive $0xFFFF  }
0xbe: {  	_ =	shalt  }

</sc_bundles>
